<compile_context>
chip_gen: v7x
topology: tpu7x:2x2x1
jax: 0.10.2.dev20260603
libtpu: 0.0.44.dev20260713+nightly
codegen_flags: <defaults>
</compile_context>

<pallas_src>
import functools

import jax
import jax.numpy as jnp
from jax import lax
from jax.experimental import pallas as pl
from jax.experimental.pallas import tpu as pltpu
from jax.experimental.pallas import tpu_sc as plsc

EMB = 64
PAD = 128
NUM_CORES = 2
NUM_SUBCORES = 16
NUM_WORKERS = NUM_CORES * NUM_SUBCORES
CHUNK = 256
GATHER = 128


@functools.partial(jax.jit, static_argnames=("b_total",))
def _lookup(table_pad, idx_flat, b_total):
    b_per_w = b_total // NUM_WORKERS
    n_chunks = b_per_w // CHUNK
    n_rows = table_pad.shape[0]

    mesh = plsc.VectorSubcoreMesh(core_axis_name="c", subcore_axis_name="s")

    @functools.partial(
        pl.kernel,
        mesh=mesh,
        compiler_params=pltpu.CompilerParams(
            needs_layout_passes=False, use_tc_tiling_on_sc=False
        ),
        out_type=jax.ShapeDtypeStruct((b_total, PAD), jnp.float32),
        scratch_types=[
            pltpu.VMEM_SHARED((n_rows, EMB), jnp.float32),
            pltpu.VMEM((b_per_w,), jnp.int32),
            pltpu.VMEM((CHUNK, EMB), jnp.float32),
            pltpu.VMEM((CHUNK, EMB), jnp.float32),
            pltpu.SemaphoreType.DMA,
            pltpu.SemaphoreType.DMA,
        ],
    )
    def k(table_hbm, idx_hbm, out_hbm, table_v, idx_v, rows0, rows1, gsem, ssem):
        rows = (rows0, rows1)
        sid = lax.axis_index("s")
        wid = sid * NUM_CORES + lax.axis_index("c")
        base = wid * b_per_w

        @pl.when(sid == 0)
        def _():
            pltpu.sync_copy(table_hbm, table_v)

        pltpu.sync_copy(idx_hbm.at[pl.ds(base, b_per_w)], idx_v)
        plsc.subcore_barrier()

        def fire_gathers(ch, slot):
            for g in range(CHUNK // GATHER):
                pltpu.async_copy(
                    table_v.at[idx_v.at[pl.ds(ch * CHUNK + g * GATHER, GATHER)]],
                    slot.at[pl.ds(g * GATHER, GATHER)],
                    gsem,
                )

        def drain_gathers(ch, slot):
            for g in range(CHUNK // GATHER):
                pltpu.make_async_copy(
                    table_v.at[idx_v.at[pl.ds(ch * CHUNK + g * GATHER, GATHER)]],
                    slot.at[pl.ds(g * GATHER, GATHER)],
                    gsem,
                ).wait()

        fire_gathers(0, rows[0])

        def chunk_body(j, _):
            for b in range(2):
                ch = j * 2 + b

                drain_gathers(ch, rows[b])

                @pl.when(ch >= 1)
                def _():
                    pltpu.make_async_copy(
                        rows[1 - b],
                        out_hbm.at[pl.ds(base, CHUNK), pl.ds(0, EMB)],
                        ssem,
                    ).wait()

                @pl.when(ch + 1 < n_chunks)
                def _():
                    fire_gathers(ch + 1, rows[1 - b])

                pltpu.async_copy(
                    rows[b],
                    out_hbm.at[pl.ds(base + ch * CHUNK, CHUNK), pl.ds(0, EMB)],
                    ssem,
                )
            return ()

        lax.fori_loop(0, n_chunks // 2, chunk_body, (), unroll=False)

        pltpu.make_async_copy(
            rows[1],
            out_hbm.at[pl.ds(base, CHUNK), pl.ds(0, EMB)],
            ssem,
        ).wait()

    return k(table_pad, idx_flat)


def kernel(table, word_pos):
    batch, seq = word_pos.shape
    b_total = batch * seq
    out = _lookup(table, word_pos.reshape(-1), b_total)
    return out[:, :EMB].reshape(batch, seq, EMB)

# --- scband reference (transcript-rebuilt; emitter-appended) ---
"""Pipeline reference for scband-positional-encoder-5257039970790 (READ-ONLY COPY).

The authoritative reference and input builder live on the scoring server;
editing this copy changes nothing except your own understanding.
"""

import jax, jax.numpy as jnp
import numpy as np

EMB_DIM = 64
MAX_LEN = 200
BATCH = 4096


def position_encoding_init(n_position, emb_dim):
    position_enc = np.array([[pos / np.power(10000, 2 * (j // 2) / emb_dim) for j in range(emb_dim)] if pos != 0 else np.zeros(emb_dim) for pos in range(n_position)])
    position_enc[1:, 0::2] = np.sin(position_enc[1:, 0::2])
    position_enc[1:, 1::2] = np.cos(position_enc[1:, 1::2])
    return jnp.asarray(position_enc, dtype=jnp.float32)


def setup_inputs() -> dict:
    # Learned (trainable) sinusoid-initialized position embedding table, per init_kwargs
    table = position_encoding_init(MAX_LEN + 1, EMB_DIM)  # [201, 64]
    # Absolute positions 0..max_len-1, tiled over the batch (torch get_absolute_pos)
    word_pos = jnp.tile(jnp.arange(MAX_LEN, dtype=jnp.int32)[None, :], (BATCH, 1))  # [4096, 200]
    return {"table": table, "word_pos": word_pos}


def reference(table, word_pos):
    # nn.Embedding lookup -> gather rows of table by position index
    word_pos_encoded = jnp.take(table, word_pos, axis=0)  # [BATCH, MAX_LEN, EMB_DIM]
    return word_pos_encoded

if __name__ == "__main__":
    import jax
    _d = setup_inputs()
    print(jax.jit(kernel)(*tuple(_d.values())))

</pallas_src>

<mosaic_0001>
#map = affine_map<(d0, d1) -> (0, 0)>
#map1 = affine_map<(d0, d1) -> (0)>
module attributes {stable_mosaic.version = 14 : i64} {
  func.func @k(%arg0: i32, %arg1: i32, %arg2: memref<201x64xf32, #tpu.memory_space<hbm>>, %arg3: memref<819200xi32, #tpu.memory_space<hbm>>, %arg4: memref<819200x128xf32, #tpu.memory_space<hbm>>, %arg5: memref<201x64xf32, #tpu.memory_space<vmem_shared>>, %arg6: memref<25600xi32, #tpu.memory_space<vmem>>, %arg7: memref<256x64xf32, #tpu.memory_space<vmem>>, %arg8: memref<256x64xf32, #tpu.memory_space<vmem>>, %arg9: memref<!tpu.dma_semaphore, #tpu.memory_space<semaphore_mem>>, %arg10: memref<!tpu.dma_semaphore, #tpu.memory_space<semaphore_mem>>) attributes {dimension_semantics = [#tpu.dimension_semantics<core_parallel>, #tpu.dimension_semantics<subcore_parallel>], iteration_bounds = array<i64: 2, 16>, scalar_prefetch = 0 : i64, scratch_operands = 6 : i64, tpu.core_type = #tpu.core_type<sc_vector_subcore>, window_params = [{transform_indices = #map}, {transform_indices = #map1}, {transform_indices = #map}]} {
    %mul3A = arith.constant 2 : i32
    %mul3A_0 = arith.muli %arg1, %mul3A : i32
    %add3A = arith.addi %mul3A_0, %arg0 : i32
    %mul3A_1 = arith.constant 25600 : i32
    %mul3A_2 = arith.muli %add3A, %mul3A_1 : i32
    %eq3A = arith.constant 0 : i32
    %eq3A_3 = arith.cmpi eq, %arg1, %eq3A : i32
    %convert_element_type3A = arith.extui %eq3A_3 : i1 to i32
    %cond3A = arith.constant 0 : i32
    %cond3A_4 = arith.cmpi ne, %convert_element_type3A, %cond3A : i32
    scf.if %cond3A_4 {
      "tpu.region"() ({
        %run_scoped3A = tpu.sem_alloc : memref<!tpu.dma_semaphore, #tpu.memory_space<semaphore_mem>>
        tpu.enqueue_dma source(%arg2 : memref<201x64xf32, #tpu.memory_space<hbm>>) target(%arg5 : memref<201x64xf32, #tpu.memory_space<vmem_shared>>) target_semaphore(%run_scoped3A : memref<!tpu.dma_semaphore, #tpu.memory_space<semaphore_mem>>)
        tpu.wait_dma2 semaphore(%run_scoped3A : memref<!tpu.dma_semaphore, #tpu.memory_space<semaphore_mem>>) src(%arg2 : memref<201x64xf32, #tpu.memory_space<hbm>>) dst(%arg5 : memref<201x64xf32, #tpu.memory_space<vmem_shared>>)
        tpu.yield
      }) : () -> ()
    } else {
    }
    "tpu.region"() ({
      %run_scoped3A = tpu.sem_alloc : memref<!tpu.dma_semaphore, #tpu.memory_space<semaphore_mem>>
      %dma_start3A_27 = tpu.memref_slice %arg3[%mul3A_2] : memref<819200xi32, #tpu.memory_space<hbm>> -> memref<25600xi32, #tpu.memory_space<hbm>>
      %dma_start3A_28 = tpu.memref_slice %arg3[%mul3A_2] : memref<819200xi32, #tpu.memory_space<hbm>> -> memref<25600xi32, #tpu.memory_space<hbm>>
      tpu.enqueue_dma source(%dma_start3A_28 : memref<25600xi32, #tpu.memory_space<hbm>>) target(%arg6 : memref<25600xi32, #tpu.memory_space<vmem>>) target_semaphore(%run_scoped3A : memref<!tpu.dma_semaphore, #tpu.memory_space<semaphore_mem>>)
      %dma_wait3A_29 = tpu.memref_slice %arg3[%mul3A_2] : memref<819200xi32, #tpu.memory_space<hbm>> -> memref<25600xi32, #tpu.memory_space<hbm>>
      %dma_wait3A_30 = tpu.memref_slice %arg3[%mul3A_2] : memref<819200xi32, #tpu.memory_space<hbm>> -> memref<25600xi32, #tpu.memory_space<hbm>>
      tpu.wait_dma2 semaphore(%run_scoped3A : memref<!tpu.dma_semaphore, #tpu.memory_space<semaphore_mem>>) src(%dma_wait3A_30 : memref<25600xi32, #tpu.memory_space<hbm>>) dst(%arg6 : memref<25600xi32, #tpu.memory_space<vmem>>)
      tpu.yield
    }) : () -> ()
    %barrier3A = arith.constant 0 : index
    tpu.barrier barrier_id(%barrier3A)
    %dma_start3A = arith.constant 0 : i32
    %dma_start3A_5 = arith.constant 0 : i32
    %dma_start3A_6 = tpu.memref_slice %arg7[%dma_start3A, %dma_start3A_5] : memref<256x64xf32, #tpu.memory_space<vmem>> -> memref<128x64xf32, #tpu.memory_space<vmem>>
    %dma_start3A_7 = arith.constant 0 : i32
    %dma_start3A_8 = tpu.memref_slice %arg6[%dma_start3A_7] : memref<25600xi32, #tpu.memory_space<vmem>> -> memref<128xi32, #tpu.memory_space<vmem>>
    %dma_start3A_9 = arith.constant 0 : i32
    %dma_start3A_10 = arith.constant 0 : i32
    %dma_start3A_11 = tpu.memref_slice %arg5[%dma_start3A_9, %dma_start3A_10] : memref<201x64xf32, #tpu.memory_space<vmem_shared>> -> memref<201x64xf32, #tpu.memory_space<vmem_shared>>
    tpu.enqueue_indirect_dma source(%dma_start3A_11 : memref<201x64xf32, #tpu.memory_space<vmem_shared>>) target(%dma_start3A_6 : memref<128x64xf32, #tpu.memory_space<vmem>>) offsets(%dma_start3A_8 : memref<128xi32, #tpu.memory_space<vmem>>) semaphore(%arg9 : memref<!tpu.dma_semaphore, #tpu.memory_space<semaphore_mem>>)
    %dma_start3A_12 = arith.constant 128 : i32
    %dma_start3A_13 = arith.constant 0 : i32
    %dma_start3A_14 = tpu.memref_slice %arg7[%dma_start3A_12, %dma_start3A_13] : memref<256x64xf32, #tpu.memory_space<vmem>> -> memref<128x64xf32, #tpu.memory_space<vmem>>
    %dma_start3A_15 = arith.constant 128 : i32
    %dma_start3A_16 = tpu.memref_slice %arg6[%dma_start3A_15] : memref<25600xi32, #tpu.memory_space<vmem>> -> memref<128xi32, #tpu.memory_space<vmem>>
    %dma_start3A_17 = arith.constant 0 : i32
    %dma_start3A_18 = arith.constant 0 : i32
    %dma_start3A_19 = tpu.memref_slice %arg5[%dma_start3A_17, %dma_start3A_18] : memref<201x64xf32, #tpu.memory_space<vmem_shared>> -> memref<201x64xf32, #tpu.memory_space<vmem_shared>>
    tpu.enqueue_indirect_dma source(%dma_start3A_19 : memref<201x64xf32, #tpu.memory_space<vmem_shared>>) target(%dma_start3A_14 : memref<128x64xf32, #tpu.memory_space<vmem>>) offsets(%dma_start3A_16 : memref<128xi32, #tpu.memory_space<vmem>>) semaphore(%arg9 : memref<!tpu.dma_semaphore, #tpu.memory_space<semaphore_mem>>)
    %scan3A = arith.constant 0 : i32
    %scan3A_20 = arith.constant 50 : i32
    %scan3A_21 = arith.addi %scan3A, %scan3A_20 : i32
    %scan3A_22 = arith.constant 1 : i32
    scf.for %scan3A_27 = %scan3A to %scan3A_21 step %scan3A_22  : i32 {
      %mul3A_28 = arith.constant 2 : i32
      %mul3A_29 = arith.muli %scan3A_27, %mul3A_28 : i32
      %add3A_30 = arith.constant 0 : i32
      %add3A_31 = arith.addi %mul3A_29, %add3A_30 : i32
      %mul3A_32 = arith.constant 256 : i32
      %mul3A_33 = arith.muli %add3A_31, %mul3A_32 : i32
      %add3A_34 = arith.constant 0 : i32
      %add3A_35 = arith.addi %mul3A_33, %add3A_34 : i32
      %dma_wait3A_36 = arith.constant 0 : i32
      %dma_wait3A_37 = arith.constant 0 : i32
      %dma_wait3A_38 = tpu.memref_slice %arg7[%dma_wait3A_36, %dma_wait3A_37] : memref<256x64xf32, #tpu.memory_space<vmem>> -> memref<128x64xf32, #tpu.memory_space<vmem>>
      %dma_wait3A_39 = tpu.memref_slice %arg6[%add3A_35] : memref<25600xi32, #tpu.memory_space<vmem>> -> memref<128xi32, #tpu.memory_space<vmem>>
      %dma_wait3A_40 = arith.constant 0 : i32
      %dma_wait3A_41 = arith.constant 0 : i32
      %dma_wait3A_42 = tpu.memref_slice %arg5[%dma_wait3A_40, %dma_wait3A_41] : memref<201x64xf32, #tpu.memory_space<vmem_shared>> -> memref<201x64xf32, #tpu.memory_space<vmem_shared>>
      tpu.wait_indirect_dma semaphore(%arg9 : memref<!tpu.dma_semaphore, #tpu.memory_space<semaphore_mem>>) src(%dma_wait3A_42 : memref<201x64xf32, #tpu.memory_space<vmem_shared>>) dst(%dma_wait3A_38 : memref<128x64xf32, #tpu.memory_space<vmem>>)
      %mul3A_43 = arith.constant 256 : i32
      %mul3A_44 = arith.muli %add3A_31, %mul3A_43 : i32
      %add3A_45 = arith.constant 128 : i32
      %add3A_46 = arith.addi %mul3A_44, %add3A_45 : i32
      %dma_wait3A_47 = arith.constant 128 : i32
      %dma_wait3A_48 = arith.constant 0 : i32
      %dma_wait3A_49 = tpu.memref_slice %arg7[%dma_wait3A_47, %dma_wait3A_48] : memref<256x64xf32, #tpu.memory_space<vmem>> -> memref<128x64xf32, #tpu.memory_space<vmem>>
      %dma_wait3A_50 = tpu.memref_slice %arg6[%add3A_46] : memref<25600xi32, #tpu.memory_space<vmem>> -> memref<128xi32, #tpu.memory_space<vmem>>
      %dma_wait3A_51 = arith.constant 0 : i32
      %dma_wait3A_52 = arith.constant 0 : i32
      %dma_wait3A_53 = tpu.memref_slice %arg5[%dma_wait3A_51, %dma_wait3A_52] : memref<201x64xf32, #tpu.memory_space<vmem_shared>> -> memref<201x64xf32, #tpu.memory_space<vmem_shared>>
      tpu.wait_indirect_dma semaphore(%arg9 : memref<!tpu.dma_semaphore, #tpu.memory_space<semaphore_mem>>) src(%dma_wait3A_53 : memref<201x64xf32, #tpu.memory_space<vmem_shared>>) dst(%dma_wait3A_49 : memref<128x64xf32, #tpu.memory_space<vmem>>)
      %ge3A = arith.constant 1 : i32
      %ge3A_54 = arith.cmpi sge, %add3A_31, %ge3A : i32
      %convert_element_type3A_55 = arith.extui %ge3A_54 : i1 to i32
      %cond3A_56 = arith.constant 0 : i32
      %cond3A_57 = arith.cmpi ne, %convert_element_type3A_55, %cond3A_56 : i32
      scf.if %cond3A_57 {
        %dma_wait3A_116 = arith.constant 0 : i32
        %dma_wait3A_117 = tpu.memref_slice %arg4[%mul3A_2, %dma_wait3A_116] : memref<819200x128xf32, #tpu.memory_space<hbm>> -> memref<256x64xf32, #tpu.memory_space<hbm>>
        %dma_wait3A_118 = arith.constant 0 : i32
        %dma_wait3A_119 = tpu.memref_slice %arg4[%mul3A_2, %dma_wait3A_118] : memref<819200x128xf32, #tpu.memory_space<hbm>> -> memref<256x64xf32, #tpu.memory_space<hbm>>
        tpu.wait_dma2 semaphore(%arg10 : memref<!tpu.dma_semaphore, #tpu.memory_space<semaphore_mem>>) src(%arg8 : memref<256x64xf32, #tpu.memory_space<vmem>>) dst(%dma_wait3A_119 : memref<256x64xf32, #tpu.memory_space<hbm>>)
      } else {
      }
      %add3A_58 = arith.constant 1 : i32
      %add3A_59 = arith.addi %add3A_31, %add3A_58 : i32
      %lt3A = arith.constant 100 : i32
      %lt3A_60 = arith.cmpi slt, %add3A_59, %lt3A : i32
      %convert_element_type3A_61 = arith.extui %lt3A_60 : i1 to i32
      %cond3A_62 = arith.constant 0 : i32
      %cond3A_63 = arith.cmpi ne, %convert_element_type3A_61, %cond3A_62 : i32
      scf.if %cond3A_63 {
        %add3A_116 = arith.constant 1 : i32
        %add3A_117 = arith.addi %add3A_31, %add3A_116 : i32
        %mul3A_118 = arith.constant 256 : i32
        %mul3A_119 = arith.muli %add3A_117, %mul3A_118 : i32
        %add3A_120 = arith.constant 0 : i32
        %add3A_121 = arith.addi %mul3A_119, %add3A_120 : i32
        %dma_start3A_122 = arith.constant 0 : i32
        %dma_start3A_123 = arith.constant 0 : i32
        %dma_start3A_124 = tpu.memref_slice %arg8[%dma_start3A_122, %dma_start3A_123] : memref<256x64xf32, #tpu.memory_space<vmem>> -> memref<128x64xf32, #tpu.memory_space<vmem>>
        %dma_start3A_125 = tpu.memref_slice %arg6[%add3A_121] : memref<25600xi32, #tpu.memory_space<vmem>> -> memref<128xi32, #tpu.memory_space<vmem>>
        %dma_start3A_126 = arith.constant 0 : i32
        %dma_start3A_127 = arith.constant 0 : i32
        %dma_start3A_128 = tpu.memref_slice %arg5[%dma_start3A_126, %dma_start3A_127] : memref<201x64xf32, #tpu.memory_space<vmem_shared>> -> memref<201x64xf32, #tpu.memory_space<vmem_shared>>
        tpu.enqueue_indirect_dma source(%dma_start3A_128 : memref<201x64xf32, #tpu.memory_space<vmem_shared>>) target(%dma_start3A_124 : memref<128x64xf32, #tpu.memory_space<vmem>>) offsets(%dma_start3A_125 : memref<128xi32, #tpu.memory_space<vmem>>) semaphore(%arg9 : memref<!tpu.dma_semaphore, #tpu.memory_space<semaphore_mem>>)
        %mul3A_129 = arith.constant 256 : i32
        %mul3A_130 = arith.muli %add3A_117, %mul3A_129 : i32
        %add3A_131 = arith.constant 128 : i32
        %add3A_132 = arith.addi %mul3A_130, %add3A_131 : i32
        %dma_start3A_133 = arith.constant 128 : i32
        %dma_start3A_134 = arith.constant 0 : i32
        %dma_start3A_135 = tpu.memref_slice %arg8[%dma_start3A_133, %dma_start3A_134] : memref<256x64xf32, #tpu.memory_space<vmem>> -> memref<128x64xf32, #tpu.memory_space<vmem>>
        %dma_start3A_136 = tpu.memref_slice %arg6[%add3A_132] : memref<25600xi32, #tpu.memory_space<vmem>> -> memref<128xi32, #tpu.memory_space<vmem>>
        %dma_start3A_137 = arith.constant 0 : i32
        %dma_start3A_138 = arith.constant 0 : i32
        %dma_start3A_139 = tpu.memref_slice %arg5[%dma_start3A_137, %dma_start3A_138] : memref<201x64xf32, #tpu.memory_space<vmem_shared>> -> memref<201x64xf32, #tpu.memory_space<vmem_shared>>
        tpu.enqueue_indirect_dma source(%dma_start3A_139 : memref<201x64xf32, #tpu.memory_space<vmem_shared>>) target(%dma_start3A_135 : memref<128x64xf32, #tpu.memory_space<vmem>>) offsets(%dma_start3A_136 : memref<128xi32, #tpu.memory_space<vmem>>) semaphore(%arg9 : memref<!tpu.dma_semaphore, #tpu.memory_space<semaphore_mem>>)
      } else {
      }
      %mul3A_64 = arith.constant 256 : i32
      %mul3A_65 = arith.muli %add3A_31, %mul3A_64 : i32
      %add3A_66 = arith.addi %mul3A_2, %mul3A_65 : i32
      %dma_start3A_67 = arith.constant 0 : i32
      %dma_start3A_68 = tpu.memref_slice %arg4[%add3A_66, %dma_start3A_67] : memref<819200x128xf32, #tpu.memory_space<hbm>> -> memref<256x64xf32, #tpu.memory_space<hbm>>
      %dma_start3A_69 = arith.constant 0 : i32
      %dma_start3A_70 = tpu.memref_slice %arg4[%add3A_66, %dma_start3A_69] : memref<819200x128xf32, #tpu.memory_space<hbm>> -> memref<256x64xf32, #tpu.memory_space<hbm>>
      tpu.enqueue_dma source(%arg7 : memref<256x64xf32, #tpu.memory_space<vmem>>) target(%dma_start3A_70 : memref<256x64xf32, #tpu.memory_space<hbm>>) target_semaphore(%arg10 : memref<!tpu.dma_semaphore, #tpu.memory_space<semaphore_mem>>)
      %mul3A_71 = arith.constant 2 : i32
      %mul3A_72 = arith.muli %scan3A_27, %mul3A_71 : i32
      %add3A_73 = arith.constant 1 : i32
      %add3A_74 = arith.addi %mul3A_72, %add3A_73 : i32
      %mul3A_75 = arith.constant 256 : i32
      %mul3A_76 = arith.muli %add3A_74, %mul3A_75 : i32
      %add3A_77 = arith.constant 0 : i32
      %add3A_78 = arith.addi %mul3A_76, %add3A_77 : i32
      %dma_wait3A_79 = arith.constant 0 : i32
      %dma_wait3A_80 = arith.constant 0 : i32
      %dma_wait3A_81 = tpu.memref_slice %arg8[%dma_wait3A_79, %dma_wait3A_80] : memref<256x64xf32, #tpu.memory_space<vmem>> -> memref<128x64xf32, #tpu.memory_space<vmem>>
      %dma_wait3A_82 = tpu.memref_slice %arg6[%add3A_78] : memref<25600xi32, #tpu.memory_space<vmem>> -> memref<128xi32, #tpu.memory_space<vmem>>
      %dma_wait3A_83 = arith.constant 0 : i32
      %dma_wait3A_84 = arith.constant 0 : i32
      %dma_wait3A_85 = tpu.memref_slice %arg5[%dma_wait3A_83, %dma_wait3A_84] : memref<201x64xf32, #tpu.memory_space<vmem_shared>> -> memref<201x64xf32, #tpu.memory_space<vmem_shared>>
      tpu.wait_indirect_dma semaphore(%arg9 : memref<!tpu.dma_semaphore, #tpu.memory_space<semaphore_mem>>) src(%dma_wait3A_85 : memref<201x64xf32, #tpu.memory_space<vmem_shared>>) dst(%dma_wait3A_81 : memref<128x64xf32, #tpu.memory_space<vmem>>)
      %mul3A_86 = arith.constant 256 : i32
      %mul3A_87 = arith.muli %add3A_74, %mul3A_86 : i32
      %add3A_88 = arith.constant 128 : i32
      %add3A_89 = arith.addi %mul3A_87, %add3A_88 : i32
      %dma_wait3A_90 = arith.constant 128 : i32
      %dma_wait3A_91 = arith.constant 0 : i32
      %dma_wait3A_92 = tpu.memref_slice %arg8[%dma_wait3A_90, %dma_wait3A_91] : memref<256x64xf32, #tpu.memory_space<vmem>> -> memref<128x64xf32, #tpu.memory_space<vmem>>
      %dma_wait3A_93 = tpu.memref_slice %arg6[%add3A_89] : memref<25600xi32, #tpu.memory_space<vmem>> -> memref<128xi32, #tpu.memory_space<vmem>>
      %dma_wait3A_94 = arith.constant 0 : i32
      %dma_wait3A_95 = arith.constant 0 : i32
      %dma_wait3A_96 = tpu.memref_slice %arg5[%dma_wait3A_94, %dma_wait3A_95] : memref<201x64xf32, #tpu.memory_space<vmem_shared>> -> memref<201x64xf32, #tpu.memory_space<vmem_shared>>
      tpu.wait_indirect_dma semaphore(%arg9 : memref<!tpu.dma_semaphore, #tpu.memory_space<semaphore_mem>>) src(%dma_wait3A_96 : memref<201x64xf32, #tpu.memory_space<vmem_shared>>) dst(%dma_wait3A_92 : memref<128x64xf32, #tpu.memory_space<vmem>>)
      %ge3A_97 = arith.constant 1 : i32
      %ge3A_98 = arith.cmpi sge, %add3A_74, %ge3A_97 : i32
      %convert_element_type3A_99 = arith.extui %ge3A_98 : i1 to i32
      %cond3A_100 = arith.constant 0 : i32
      %cond3A_101 = arith.cmpi ne, %convert_element_type3A_99, %cond3A_100 : i32
      scf.if %cond3A_101 {
        %dma_wait3A_116 = arith.constant 0 : i32
        %dma_wait3A_117 = tpu.memref_slice %arg4[%mul3A_2, %dma_wait3A_116] : memref<819200x128xf32, #tpu.memory_space<hbm>> -> memref<256x64xf32, #tpu.memory_space<hbm>>
        %dma_wait3A_118 = arith.constant 0 : i32
        %dma_wait3A_119 = tpu.memref_slice %arg4[%mul3A_2, %dma_wait3A_118] : memref<819200x128xf32, #tpu.memory_space<hbm>> -> memref<256x64xf32, #tpu.memory_space<hbm>>
        tpu.wait_dma2 semaphore(%arg10 : memref<!tpu.dma_semaphore, #tpu.memory_space<semaphore_mem>>) src(%arg7 : memref<256x64xf32, #tpu.memory_space<vmem>>) dst(%dma_wait3A_119 : memref<256x64xf32, #tpu.memory_space<hbm>>)
      } else {
      }
      %add3A_102 = arith.constant 1 : i32
      %add3A_103 = arith.addi %add3A_74, %add3A_102 : i32
      %lt3A_104 = arith.constant 100 : i32
      %lt3A_105 = arith.cmpi slt, %add3A_103, %lt3A_104 : i32
      %convert_element_type3A_106 = arith.extui %lt3A_105 : i1 to i32
      %cond3A_107 = arith.constant 0 : i32
      %cond3A_108 = arith.cmpi ne, %convert_element_type3A_106, %cond3A_107 : i32
      scf.if %cond3A_108 {
        %add3A_116 = arith.constant 1 : i32
        %add3A_117 = arith.addi %add3A_74, %add3A_116 : i32
        %mul3A_118 = arith.constant 256 : i32
        %mul3A_119 = arith.muli %add3A_117, %mul3A_118 : i32
        %add3A_120 = arith.constant 0 : i32
        %add3A_121 = arith.addi %mul3A_119, %add3A_120 : i32
        %dma_start3A_122 = arith.constant 0 : i32
        %dma_start3A_123 = arith.constant 0 : i32
        %dma_start3A_124 = tpu.memref_slice %arg7[%dma_start3A_122, %dma_start3A_123] : memref<256x64xf32, #tpu.memory_space<vmem>> -> memref<128x64xf32, #tpu.memory_space<vmem>>
        %dma_start3A_125 = tpu.memref_slice %arg6[%add3A_121] : memref<25600xi32, #tpu.memory_space<vmem>> -> memref<128xi32, #tpu.memory_space<vmem>>
        %dma_start3A_126 = arith.constant 0 : i32
        %dma_start3A_127 = arith.constant 0 : i32
        %dma_start3A_128 = tpu.memref_slice %arg5[%dma_start3A_126, %dma_start3A_127] : memref<201x64xf32, #tpu.memory_space<vmem_shared>> -> memref<201x64xf32, #tpu.memory_space<vmem_shared>>
        tpu.enqueue_indirect_dma source(%dma_start3A_128 : memref<201x64xf32, #tpu.memory_space<vmem_shared>>) target(%dma_start3A_124 : memref<128x64xf32, #tpu.memory_space<vmem>>) offsets(%dma_start3A_125 : memref<128xi32, #tpu.memory_space<vmem>>) semaphore(%arg9 : memref<!tpu.dma_semaphore, #tpu.memory_space<semaphore_mem>>)
        %mul3A_129 = arith.constant 256 : i32
        %mul3A_130 = arith.muli %add3A_117, %mul3A_129 : i32
        %add3A_131 = arith.constant 128 : i32
        %add3A_132 = arith.addi %mul3A_130, %add3A_131 : i32
        %dma_start3A_133 = arith.constant 128 : i32
        %dma_start3A_134 = arith.constant 0 : i32
        %dma_start3A_135 = tpu.memref_slice %arg7[%dma_start3A_133, %dma_start3A_134] : memref<256x64xf32, #tpu.memory_space<vmem>> -> memref<128x64xf32, #tpu.memory_space<vmem>>
        %dma_start3A_136 = tpu.memref_slice %arg6[%add3A_132] : memref<25600xi32, #tpu.memory_space<vmem>> -> memref<128xi32, #tpu.memory_space<vmem>>
        %dma_start3A_137 = arith.constant 0 : i32
        %dma_start3A_138 = arith.constant 0 : i32
        %dma_start3A_139 = tpu.memref_slice %arg5[%dma_start3A_137, %dma_start3A_138] : memref<201x64xf32, #tpu.memory_space<vmem_shared>> -> memref<201x64xf32, #tpu.memory_space<vmem_shared>>
        tpu.enqueue_indirect_dma source(%dma_start3A_139 : memref<201x64xf32, #tpu.memory_space<vmem_shared>>) target(%dma_start3A_135 : memref<128x64xf32, #tpu.memory_space<vmem>>) offsets(%dma_start3A_136 : memref<128xi32, #tpu.memory_space<vmem>>) semaphore(%arg9 : memref<!tpu.dma_semaphore, #tpu.memory_space<semaphore_mem>>)
      } else {
      }
      %mul3A_109 = arith.constant 256 : i32
      %mul3A_110 = arith.muli %add3A_74, %mul3A_109 : i32
      %add3A_111 = arith.addi %mul3A_2, %mul3A_110 : i32
      %dma_start3A_112 = arith.constant 0 : i32
      %dma_start3A_113 = tpu.memref_slice %arg4[%add3A_111, %dma_start3A_112] : memref<819200x128xf32, #tpu.memory_space<hbm>> -> memref<256x64xf32, #tpu.memory_space<hbm>>
      %dma_start3A_114 = arith.constant 0 : i32
      %dma_start3A_115 = tpu.memref_slice %arg4[%add3A_111, %dma_start3A_114] : memref<819200x128xf32, #tpu.memory_space<hbm>> -> memref<256x64xf32, #tpu.memory_space<hbm>>
      tpu.enqueue_dma source(%arg8 : memref<256x64xf32, #tpu.memory_space<vmem>>) target(%dma_start3A_115 : memref<256x64xf32, #tpu.memory_space<hbm>>) target_semaphore(%arg10 : memref<!tpu.dma_semaphore, #tpu.memory_space<semaphore_mem>>)
    }
    %scan3A_23 = arith.constant 50 : i32
    %dma_wait3A = arith.constant 0 : i32
    %dma_wait3A_24 = tpu.memref_slice %arg4[%mul3A_2, %dma_wait3A] : memref<819200x128xf32, #tpu.memory_space<hbm>> -> memref<256x64xf32, #tpu.memory_space<hbm>>
    %dma_wait3A_25 = arith.constant 0 : i32
    %dma_wait3A_26 = tpu.memref_slice %arg4[%mul3A_2, %dma_wait3A_25] : memref<819200x128xf32, #tpu.memory_space<hbm>> -> memref<256x64xf32, #tpu.memory_space<hbm>>
    tpu.wait_dma2 semaphore(%arg10 : memref<!tpu.dma_semaphore, #tpu.memory_space<semaphore_mem>>) src(%arg8 : memref<256x64xf32, #tpu.memory_space<vmem>>) dst(%dma_wait3A_26 : memref<256x64xf32, #tpu.memory_space<hbm>>)
    return
  }
}

</mosaic_0001>

<sc_bundles>
// kernel: _lookup.3.cloned.1.call-start
scs
__scs_entry_jumppad:
0x0: {  	(pc) =	sbr.rel $0x88, $3  }
0x1: {  	(tag) =	ssettag $0x0;
	lr =	simm.s32 $0x1  }
0x2: {  	[smem:$0x3F9F] =	sst lr;
	_ =	strace $0xD0000000  }
0x3: {  	_ = 	snop  }
0x4: {  	_ = 	snop  }
0x5: {  	_ = 	snop  }
0x6: {  	_ = 	snop  }
0x7: {  	_ = 	snop  }
__scs_overlays_trampoline_lowered:
0x8: {  	[smem:$0x3FAE] =	sst s0  }
0x9: {  	[smem:$0x3FAF] =	sst s1  }
0xa: {  	[smem:$0x3FB0] =	sst s2  }
0xb: {  	[smem:$0x3FB1] =	sst s3  }
0xc: {  	[smem:$0x3FB2] =	sst s4  }
0xd: {  	[smem:$0x3FB3] =	sst s5  }
0xe: {  	[smem:$0x3FB4] =	sst s6  }
0xf: {  	[smem:$0x3FB5] =	sst s7  }
0x10: {  	[smem:$0x3FB6] =	sst s8  }
0x11: {  	[smem:$0x3FB7] =	sst s9;
	s0 =	simm.s32 @!p0 $0x0  }
0x12: {  	s1 =	sld [smem:$0x3F9D];
	s0 =	simm.s32 @p0 $0x1  }
0x13: {  	[smem:$0x3FB8] =	sst s0;
	s0 =	simm.s32 @!p1 $0x0  }
0x14: {  	s2 =	sld [smem:$0x3F9C];
	s0 =	simm.s32 @p1 $0x1  }
0x15: {  	[smem:$0x3FB9] =	sst s0;
	s0 =	simm.s32 @!p2 $0x0  }
0x16: {  	s3 =	sld [smem:$0x3FDB];
	s0 =	simm.s32 @p2 $0x1  }
0x17: {  	s4 =	simm.s32 $0x1BF5;
	[smem:$0x3FBB] =	sst s0  }
0x18: {  	s0 =	sld [smem:$0x3F9E];
	_ =	swait.ge [sflag:s4], $0x0  }
0x19: {  	s7 =	sld [smem:$0x3F9F]  }
0x1a: {  	s8 =	sadd.s32 $0xFFFFE003, lr  }
0x1b: {  	s9 =	sadd.s32 $0xFFFFFEF7, lr;
	s5 =	simm.s32 $0xFFFFFFFF;
	p2 =	slt.u32 s8, $0xFFFFF086  }
0x1c: {  	p1 =	slt.u32 s9, $0xF7A;
	s5 =	simm.s32 @!p2 $0x0  }
0x1d: {  	s5 =	simm.s32 @p1 $0x1;
	p0 =	seq.s32 s7, s2  }
0x1e: {  	s7 =	smul.u32 @!p0 $0xF7A, s2;
	p2 =	seq.s32 @!p0 s5, $0x0  }
0x1f: {  	s9 =	smul.u32 $0xF7A, s1;
	s8 =	simm.s32 @!p0 $0x1BF5;
	p2 =	por !p2, p0  }
0x20: {  	[sflag:s8] =	ssyncset.s32 @!p0 $0xFFFFF086;
	s6 =	sadd.s32 @!p0 s3, s7;
	s7 =	simm.s32 @!p0 $0x108  }
0x21: {  	s3 =	sadd.s32 s3, s9;
	s6 =	sadd.s32 @!p0 $0x88, s6;
	s7 =	simm.s32 @p2 $0x1082  }
0x22: {  	[simem:s7], [sflag:s8] =	dma.local @!p0 [hbm:s6], $0xF7A  }
0x23: {  	s9 =	sor.u32 $0xD0000000, s2;
	s6 =	simm.s32 $0x108;
	_ =	swait.ge @!p0 [sflag:s8], $0x0  }
0x24: {  	s3 =	sadd.s32 $0x88, s3;
	s6 =	simm.s32 @!p1 $0x1082;
	[sflag:s4] =	ssyncset.s32 $0xFFFFF086  }
0x25: {  	[simem:s6], [sflag:s4] =	dma.local [hbm:s3], $0xF7A  }
0x26: {  	[smem:$0x3F9F] =	sst s1;
	(tag) =	ssettag s2;
	_ =	strace s9  }
0x27: {  	s1 =	sld [smem:$0x3FAF]  }
0x28: {  	s2 =	sld [smem:$0x3FB0]  }
0x29: {  	s4 =	sld [smem:$0x3FB2]  }
0x2a: {  	p0 =	seq.s32 s5, $0x0;
	s5 =	sld [smem:$0x3FB3]  }
0x2b: {  	s6 =	sld [smem:$0x3FB4]  }
0x2c: {  	s7 =	sld [smem:$0x3FB5]  }
0x2d: {  	s3 =	simm.s32 $0x108;
	s8 =	sld [smem:$0x3FB6]  }
0x2e: {  	s3 =	simm.s32 @!p0 $0x1082;
	s9 =	sld [smem:$0x3FB7]  }
0x2f: {  	lr =	sadd.s32 s0, s3;
	s0 =	sld [smem:$0x3FAE]  }
0x30: {  	s3 =	sld [smem:$0x3FB1]  }
0x31: {  	[smem:$0x3FBA] =	sst s10  }
0x32: {  	s10 =	sld [smem:$0x3FB8];
	_ =	sdelay $0x3  }
0x33: {  	p0 =	seq.s32 s10, $0x1;
	s10 =	sld [smem:$0x3FBA];
	_ =	sdelay $0x3  }
0x34: {  	[smem:$0x3FBA] =	sst s10  }
0x35: {  	s10 =	sld [smem:$0x3FB9];
	_ =	sdelay $0x3  }
0x36: {  	p1 =	seq.s32 s10, $0x1;
	s10 =	sld [smem:$0x3FBA];
	_ =	sdelay $0x3  }
0x37: {  	[smem:$0x3FBA] =	sst s10  }
0x38: {  	s10 =	sld [smem:$0x3FBB]  }
0x39: {  	_ = 	snop;
	(pc) =	sbr.ind lr, $3  }
0x3a: {  	_ = 	snop  }
0x3b: {  	_ = 	snop  }
0x3c: {  	p2 =	seq.s32 s10, $0x1;
	s10 =	sld [smem:$0x3FBA]  }
0x3d: {  	_ =	shalt  }
0x3e: {  	_ =	shalt  }
0x3f: {  	_ =	shalt  }
0x40: {  	_ =	shalt  }
0x41: {  	_ =	shalt  }
0x42: {  	_ =	shalt  }
0x43: {  	_ =	shalt  }
0x44: {  	_ =	shalt  }
0x45: {  	_ =	shalt  }
0x46: {  	_ =	shalt  }
0x47: {  	_ =	shalt  }
0x48: {  	_ =	shalt  }
0x49: {  	_ =	shalt  }
0x4a: {  	_ =	shalt  }
0x4b: {  	_ =	shalt  }
0x4c: {  	_ =	shalt  }
0x4d: {  	_ =	shalt  }
0x4e: {  	_ =	shalt  }
0x4f: {  	_ =	shalt  }
0x50: {  	_ =	shalt  }
0x51: {  	_ =	shalt  }
0x52: {  	_ =	shalt  }
0x53: {  	_ =	shalt  }
0x54: {  	_ =	shalt  }
0x55: {  	_ =	shalt  }
0x56: {  	_ =	shalt  }
0x57: {  	_ =	shalt  }
0x58: {  	_ =	shalt  }
0x59: {  	_ =	shalt  }
0x5a: {  	_ =	shalt  }
0x5b: {  	_ =	shalt  }
0x5c: {  	_ =	shalt  }
0x5d: {  	_ =	shalt  }
0x5e: {  	_ =	shalt  }
0x5f: {  	_ =	shalt  }
0x60: {  	_ =	shalt  }
0x61: {  	_ =	shalt  }
0x62: {  	_ =	shalt  }
0x63: {  	_ =	shalt  }
0x64: {  	_ =	shalt  }
0x65: {  	_ =	shalt  }
0x66: {  	_ =	shalt  }
0x67: {  	_ =	shalt  }
0x68: {  	_ =	shalt  }
0x69: {  	_ =	shalt  }
0x6a: {  	_ =	shalt  }
0x6b: {  	_ =	shalt  }
0x6c: {  	_ =	shalt  }
0x6d: {  	_ =	shalt  }
0x6e: {  	_ =	shalt  }
0x6f: {  	_ =	shalt  }
0x70: {  	_ =	shalt  }
0x71: {  	_ =	shalt  }
0x72: {  	_ =	shalt  }
0x73: {  	_ =	shalt  }
0x74: {  	_ =	shalt  }
0x75: {  	_ =	shalt  }
0x76: {  	_ =	shalt  }
0x77: {  	_ =	shalt  }
0x78: {  	_ =	shalt  }
0x79: {  	_ =	shalt  }
0x7a: {  	_ =	shalt  }
0x7b: {  	_ =	shalt  }
0x7c: {  	_ =	shalt  }
0x7d: {  	_ =	shalt  }
0x7e: {  	_ =	shalt  }
0x7f: {  	_ =	shalt  }
0x80: {  	_ =	shalt  }
0x81: {  	_ =	shalt  }
0x82: {  	_ =	shalt  }
0x83: {  	_ =	shalt  }
0x84: {  	_ =	shalt  }
0x85: {  	_ =	shalt  }
0x86: {  	_ =	shalt  }
0x87: {  	_ =	shalt  }
.Lfunc_end0:
.L_simem_size_0:
called_computation_lowered:
.L_overlay_start_0:
0x88: {  	s2 =	sld [smem:$0x3FD9]  }
0x89: {  	s3 =	sld [smem:$0x3FFE];
	_ =	sdelay $0x1  }
0x8a: {  	s1 =	srdreg.scid  }
0x8b: {  	s0 =	sand.u32 $0x1, s1  }
0x8c: {  	s17 =	sshll.u32 s0, $0xA;
	s2 =	sadd.s32 s3, s2  }
0x8d: {  	s2 =	sadd.s32 s2, s17  }
0x8e: {  	[smem:$0x3FC6] =	sst s2  }
0x8f: {  	_ = 	snop  }
0x90: {  	s2 =	sld [smem:$0x3FC8]  }
0x91: {  	s18 =	sld [smem:$0x3FD0];
	(tm) =	ssettm $0x1  }
0x92: {  	s4 =	sld [smem:$0x3FFB];
	_ =	sdelay $0x3  }
0x93: {  	_ =	strace s4  }
0x94: {  	s4 =	sld [smem:$0x3FFC];
	_ =	sdelay $0x3  }
0x95: {  	_ =	strace s4  }
0x96: {  	s4 =	sld [smem:$0x3FFD];
	_ =	sdelay $0x3  }
0x97: {  	_ =	strace s4  }
0x98: {  	_ =	strace $0x8FFFFFFF  }
0x99: {  	s19 =	sld [smem:$0x3FDB];
	_ =	sdelay $0x1  }
0x9a: {  	s5 =	simm.s32 $_scs_section_size  }
0x9b: {  	s6 =	simm.s32 $_size__tile_overlayer_lowered;
	s7 =	simm.s32 $_tile_overlayer_lowered  }
0x9c: {  	s22 =	simm.s32 $0x1BFF;
	s21 =	sshll.u32 s7, $0x1;
	s4 =	sadd.s32 s5, s19  }
0x9d: {  	s8 =	simm.s32 $0x0;
	s20 =	sshll.u32 s6, $0x1;
	s6 =	sadd.s32 s21, s4  }
0x9e: {  	[timem:s8], [sflag:s22] =	dma.local [hbm:s6], s20  }
0x9f: {  	_ =	swait.ge [sflag:s22], s20  }
0xa0: {  	s5 =	ssub.s32 $0x0, s20;
	[sflag:s22] =	ssyncset.done $0x0  }
0xa1: {  	[sflag:s22] =	ssyncadd.s32 s5;
	_ =	sdelay $0x1  }
0xa2: {  	s23 =	simm.s32 $0x1B8B  }
0xa3: {  	_ =	swait.ge [sflag:s23], $0x1  }
0xa4: {  	[sflag:s23] =	ssyncset.done $0x0  }
0xa5: {  	s25 =	simm.s32 $0x1B8E;
	s24 =	sld [smem:$0x3FFE];
	[sflag:s23] =	ssyncadd.s32 $0xFFFFFFFF  }
0xa6: {  	s26 =	simm.s32 $execute0_lowered;
	[smem:$0x3FD2] =	sst s25  }
0xa7: {  	s6 =	sshll.u32 s26, $0x1;
	_ =	strace $0x80000046;
	[dreg:$0x1] =	wrdreg $0xFFFFFFFF  }
0xa8: {  	s28 =	simm.s32 $_size_execute0_lowered;
	s4 =	sadd.s32 s4, s6;
	[dreg:$0x0] =	wrdreg $0x0  }
0xa9: {  	s6 =	sshll.u32 s28, $0x1;
	[dreg:$0x2] =	wrdreg s4  }
0xaa: {  	[dreg:$0x3] =	wrdreg s6  }
0xab: {  	[dreg:$0x4] =	wrdreg $0xC0  }
0xac: {  	_ =	task [dreg:s8], $0x5FFFF  }
0xad: {  	[dreg:$0x1] =	wrdreg $0xFFFFFFFF  }
0xae: {  	[dreg:$0x0] =	wrdreg $0x60  }
0xaf: {  	[dreg:$0x2] =	wrdreg s24  }
0xb0: {  	[dreg:$0x3] =	wrdreg s2  }
0xb1: {  	[dreg:$0x4] =	wrdreg s18  }
0xb2: {  	[dreg:$0x5] =	wrdreg $0x0  }
0xb3: {  	[dreg:$0x6] =	wrdreg $0x9  }
0xb4: {  	_ =	task.clear_ibuf [dreg:s8], $0x7FFFF;
	_ =	strace $0x90000046  }
0xb5: {  	s29 =	simm.s32 $0x9;
	_ =	strace $0x80000048  }
0xb6: {  	_ =	swait.ge [sflag:s29], $0x1  }
0xb7: {  	[sflag:s29] =	ssyncadd.s32 $0xFFFFFFFF  }
0xb8: {  	_ =	strace $0x90000048  }
0xb9: {  	_ =	sfence  }
0xba: {  	s30 =	sld [smem:$0x0];
	_ =	sdelay $0x2  }
0xbb: {  	s31 =	sshll.u32 s1, $0xD;
	s1 =	sshrl.u32 s1, $0x2  }
0xbc: {  	s3 =	sand.u32 $0x4000, s31;
	s1 =	sadd.s32 s1, s30  }
0xbd: {  	s0 =	sor.u32 s3, s0;
	s1 =	sshll.u32 s1, $0x11  }
0xbe: {  	s0 =	sor.u32 s1, s0  }
0xbf: {  	s0 =	sadd.s32 $0x8F2B, s0  }
0xc0: {  	[sflag:s0] =	ssyncadd.remote.s32 $0x1  }
0xc1: {  	_ =	sfence.sel $0xFFFF  }
0xc2: {  	[dreg:$0x0] =	wrdreg $0xFFFFFFFF;
	(pc) =	sbr.abs _section_cstart, $3  }
0xc3: {  	[dreg:$0x1] =	wrdreg $0xFFFFFFFF  }
0xc4: {  	_ =	task.clear_ibuf [dreg:s8], $0x2FFFF;
	_ =	strace $0x9FFFFFFF  }
0xc5: {  	(tm) =	ssettm $0x7FFFFFFF  }
tec
execute0_lowered:
.L_overlay_start_1:
0x0: {  	(tag) =	ssettag $0x1  }
0x1: {  	s0 =	rddreg [dreg:$0x0]  }
0x2: {  	s2 =	rddreg [dreg:$0x1]  }
0x3: {  	s11 =	rddreg [dreg:$0x2]  }
0x4: {  	s3 =	srdreg.scid;
	s10 =	stileid.u32  }
0x5: {  	s1 =	rddreg [dreg:$0x3];
	s5 =	simm.s32 $0x0;
	s13 =	simm.s32 $0x328  }
0x6: {  	s14 =	simm.s32 $0x3;
	s15 =	simm.s32 $0x80;
	s16 =	simm.s32 $0x6728  }
0x7: {  	s18 =	simm.s32 $0x8728;
	s19 =	simm.s32 $0x1;
	s28 =	simm.s32 $0x5A8  }
0x8: {  	s29 =	simm.s32 $0x6628;
	s30 =	simm.s32 $0x66A8;
	s31 =	simm.s32 $0x0  }
0x9: {  	s4 =	sand.u32 $0x1, s3;
	s21 =	sshll.u32 s10, $0x1;
	[smem:$0x7FF] =	sst s5  }
0xa: {  	s9 =	smul.u32 $0x640000, s10;
	p0 =	sne.s32 s10, $0x0;
	s3 =	sor.u32 s4, s21  }
0xb: {  	_ =	strace $0x80000047;
	s6 =	ssub.s32 $0x2, s4;
	s12 =	smul.u32 $0x320000, s4  }
0xc: {  	s21 =	simm.s32 $0xA728;
	s22 =	smul.u32 $0xC80, s3;
	s23 =	sshrl.u32 s6, $0x1  }
0xd: {  	s7 =	smul.u32 $0x320000, s3;
	s3 =	sadd.s32 $0x400, s0;
	s0 =	ssub.s32 s6, s23  }
0xe: {  	s25 =	sadd.s32 s12, s9;
	s12 =	sshrl.u32 @!p0 s1, $0x3;
	s23 =	simm.s32 $0xC728  }
0xf: {  	s24 =	sshrl.u32 s7, $0x3;
	s4 =	sadd.s32 s2, s22;
	s5 =	smax.u32 s0, $0x1  }
0x10: {  	s26 =	sor.u32 $0x10000, s25;
	s0 =	sor.u32 $0x18000, s25;
	s25 =	simm.s32 $0x2  }
0x11: {  	s6 =	sadd.s32 s11, s24;
	s2 =	sshrl.u32 s26, $0x3;
	s0 =	sshrl.u32 s0, $0x3  }
0x12: {  	s24 =	simm.s32 $0x40;
	s7 =	sadd.s32 $0x1000, s6;
	s8 =	sadd.s32 $0x62000, s6  }
0x13: {  	s9 =	sadd.s32 $0x63000, s6;
	s10 =	sadd.s32 s2, s11;
	s20 =	sadd.s32 s0, s11  }
.LBB2_1:
0x14: {  	s0 =	simm.s32 @!p0 $0x1C03  }
0x15: {  	[spmem:s12], [sflag:s0] =	dma.local @!p0 [hbm:s3], $0x648  }
0x16: {  	s0 =	simm.s32 @!p0 $0x3  }
0x17: {  	_ =	swait.ge @!p0 [sflag:s0], $0x648  }
0x18: {  	[sflag:s0] =	ssyncset.done @!p0 $0x0  }
0x19: {  	s11 =	simm.s32 $0x0;
	[sflag:s0] =	ssyncadd.s32 @!p0 $0xFFFFF9B8  }
0x1a: {  	[tilespmem:s13], [sflag:$0x3] =	stream.linear.gather [hbm4b:s4+s11], $0x6400, $0x38;
	[tilespmem:$0xE728] =	vst v63  }
0x1b: {  	_ =	swait.ge [sflag:s14], $0x6400  }
0x1c: {  	[sflag:s14] =	ssyncset.done $0x0  }
0x1d: {  	[sflag:s14] =	ssyncadd.s32 $0xFFFF9C00  }
0x1e: {  	[bflag:$0x0] =	sbarrier.arrive $0xFFFF  }
0x1f: {  	[tilespmem:s16], [sflag:$0x1] =	stream.indirect.gather [spmem:s1], $0x40, s13, s15, $0xb8;
	[tilespmem:$0xE728] =	vst v63  }
0x20: {  	s17 =	simm.s32 $0x3A8  }
0x21: {  	[tilespmem:s18], [sflag:$0x1] =	stream.indirect.gather [spmem:s1], $0x40, s17, s15, $0xb8;
	[tilespmem:$0xE728] =	vst v63  }
0x22: {  	_ =	swait.ge [sflag:s19], $0x2000  }
0x23: {  	[sflag:s19] =	ssyncset.done $0x0  }
0x24: {  	[sflag:s19] =	ssyncadd.s32 $0xFFFFE000  }
0x25: {  	_ =	swait.ge [sflag:s19], $0x2000  }
0x26: {  	[sflag:s19] =	ssyncset.done $0x0  }
0x27: {  	s22 =	simm.s32 $0x428;
	[sflag:s19] =	ssyncadd.s32 $0xFFFFE000  }
0x28: {  	[tilespmem:s21], [sflag:$0x1] =	stream.indirect.gather [spmem:s1], $0x40, s22, s15, $0xb8;
	[tilespmem:$0xE728] =	vst v63  }
0x29: {  	s26 =	simm.s32 $0x4A8  }
0x2a: {  	[tilespmem:s23], [sflag:$0x1] =	stream.indirect.gather [spmem:s1], $0x40, s26, s15, $0xb8;
	[tilespmem:$0xE728] =	vst v63  }
0x2b: {  	_ = 	snop  }
0x2c: {  	[hbm4b:s6+s24] =	stream.strided.scatter [tilespmem:s16], [sflag:$0x2], $0x4000, s15, s24, $0x38;
	[tilespmem:$0xE728] =	vst v63  }
0x2d: {  	_ =	swait.ge [sflag:s19], $0x2000  }
0x2e: {  	[sflag:s19] =	ssyncset.done $0x0  }
0x2f: {  	[sflag:s19] =	ssyncadd.s32 $0xFFFFE000  }
0x30: {  	_ =	swait.ge [sflag:s19], $0x2000  }
0x31: {  	[sflag:s19] =	ssyncset.done $0x0  }
0x32: {  	[sflag:s19] =	ssyncadd.s32 $0xFFFFE000  }
0x33: {  	_ =	swait.ge [sflag:s25], $0x4000  }
0x34: {  	[sflag:s25] =	ssyncset.done $0x0  }
0x35: {  	s2 =	simm.s32 $0x528;
	[sflag:s25] =	ssyncadd.s32 $0xFFFFC000  }
0x36: {  	[tilespmem:s16], [sflag:$0x1] =	stream.indirect.gather [spmem:s1], $0x40, s2, s15, $0xb8;
	[tilespmem:$0xE728] =	vst v63  }
0x37: {  	_ = 	snop  }
0x38: {  	[tilespmem:s18], [sflag:$0x1] =	stream.indirect.gather [spmem:s1], $0x40, s28, s15, $0xb8;
	[tilespmem:$0xE728] =	vst v63  }
0x39: {  	_ = 	snop  }
0x3a: {  	[hbm4b:s7+s24] =	stream.strided.scatter [tilespmem:s21], [sflag:$0x2], $0x4000, s15, s24, $0x38;
	[tilespmem:$0xE728] =	vst v63  }
0x3b: {  	_ =	swait.ge [sflag:s19], $0x2000  }
0x3c: {  	[sflag:s19] =	ssyncset.done $0x0  }
0x3d: {  	[sflag:s19] =	ssyncadd.s32 $0xFFFFE000  }
0x3e: {  	_ =	swait.ge [sflag:s19], $0x2000  }
0x3f: {  	[sflag:s19] =	ssyncset.done $0x0  }
0x40: {  	[sflag:s19] =	ssyncadd.s32 $0xFFFFE000  }
0x41: {  	_ =	swait.ge [sflag:s25], $0x4000  }
0x42: {  	[sflag:s25] =	ssyncset.done $0x0  }
0x43: {  	s11 =	simm.s32 $0x628;
	[sflag:s25] =	ssyncadd.s32 $0xFFFFC000  }
0x44: {  	[tilespmem:s21], [sflag:$0x1] =	stream.indirect.gather [spmem:s1], $0x40, s11, s15, $0xb8;
	[tilespmem:$0xE728] =	vst v63  }
0x45: {  	s17 =	simm.s32 $0x6A8  }
0x46: {  	[tilespmem:s23], [sflag:$0x1] =	stream.indirect.gather [spmem:s1], $0x40, s17, s15, $0xb8;
	[tilespmem:$0xE728] =	vst v63  }
0x47: {  	_ = 	snop  }
0x48: {  	[hbm4b:s10+s24] =	stream.strided.scatter [tilespmem:s16], [sflag:$0x2], $0x4000, s15, s24, $0x38;
	[tilespmem:$0xE728] =	vst v63  }
0x49: {  	_ =	swait.ge [sflag:s19], $0x2000  }
0x4a: {  	[sflag:s19] =	ssyncset.done $0x0  }
0x4b: {  	[sflag:s19] =	ssyncadd.s32 $0xFFFFE000  }
0x4c: {  	_ =	swait.ge [sflag:s19], $0x2000  }
0x4d: {  	[sflag:s19] =	ssyncset.done $0x0  }
0x4e: {  	[sflag:s19] =	ssyncadd.s32 $0xFFFFE000  }
0x4f: {  	_ =	swait.ge [sflag:s25], $0x4000  }
0x50: {  	s0 =	simm.s32 $0x800;
	[sflag:s25] =	ssyncset.done $0x0  }
0x51: {  	s22 =	simm.s32 $0x728;
	s26 =	simm.s32 $0x7A8;
	[sflag:s25] =	ssyncadd.s32 $0xFFFFC000  }
0x52: {  	[tilespmem:s16], [sflag:$0x1] =	stream.indirect.gather [spmem:s1], $0x40, s22, s15, $0xb8;
	[tilespmem:$0xE728] =	vst v63  }
0x53: {  	s2 =	sadd.s32 $0x2000, s10;
	s11 =	smov.u32 s20;
	s17 =	sadd.s32 $0x2000, s20  }
0x54: {  	[tilespmem:s18], [sflag:$0x1] =	stream.indirect.gather [spmem:s1], $0x40, s26, s15, $0xb8;
	[tilespmem:$0xE728] =	vst v63  }
.LBB2_2:
0x55: {  	[hbm4b:s11+s24] =	stream.strided.scatter [tilespmem:s21], [sflag:$0x2], $0x4000, s15, s24, $0x38;
	[tilespmem:$0xE728] =	vst v63  }
0x56: {  	s22 =	smov.u32 s0;
	s11 =	smov.u32 s17  }
0x57: {  	p1 =	sne.s32 s0, $0x17800;
	s0 =	sadd.s32 $0x800, s0;
	_ =	swait.ge [sflag:s19], $0x2000  }
0x58: {  	[sflag:s19] =	ssyncset.done $0x0  }
0x59: {  	[sflag:s19] =	ssyncadd.s32 $0xFFFFE000  }
0x5a: {  	_ =	swait.ge [sflag:s19], $0x2000  }
0x5b: {  	[sflag:s19] =	ssyncset.done $0x0  }
0x5c: {  	[sflag:s19] =	ssyncadd.s32 $0xFFFFE000  }
0x5d: {  	_ =	swait.ge [sflag:s25], $0x4000  }
0x5e: {  	s22 =	sshra.s32 s22, $0x2;
	[sflag:s25] =	ssyncset.done $0x0  }
0x5f: {  	s26 =	sadd.s32 $0x628, s22;
	[sflag:s25] =	ssyncadd.s32 $0xFFFFC000  }
0x60: {  	[tilespmem:s21], [sflag:$0x1] =	stream.indirect.gather [spmem:s1], $0x40, s26, s15, $0xb8;
	[tilespmem:$0xE728] =	vst v63  }
0x61: {  	s26 =	sadd.s32 $0x6A8, s22  }
0x62: {  	[tilespmem:s23], [sflag:$0x1] =	stream.indirect.gather [spmem:s1], $0x40, s26, s15, $0xb8;
	[tilespmem:$0xE728] =	vst v63  }
0x63: {  	_ = 	snop  }
0x64: {  	[hbm4b:s2+s24] =	stream.strided.scatter [tilespmem:s16], [sflag:$0x2], $0x4000, s15, s24, $0x38;
	[tilespmem:$0xE728] =	vst v63  }
0x65: {  	_ =	swait.ge [sflag:s19], $0x2000  }
0x66: {  	[sflag:s19] =	ssyncset.done $0x0  }
0x67: {  	[sflag:s19] =	ssyncadd.s32 $0xFFFFE000  }
0x68: {  	_ =	swait.ge [sflag:s19], $0x2000  }
0x69: {  	[sflag:s19] =	ssyncset.done $0x0  }
0x6a: {  	[sflag:s19] =	ssyncadd.s32 $0xFFFFE000  }
0x6b: {  	_ =	swait.ge [sflag:s25], $0x4000  }
0x6c: {  	[sflag:s25] =	ssyncset.done $0x0  }
.Ltmp0:
0x6d: {  	s26 =	sadd.s32 $0x728, s22;
	[sflag:s25] =	ssyncadd.s32 $0xFFFFC000;
	(pc) =	sbr.rel @p1 .LBB2_2-.Ltmp0, $4  }
0x6e: {  	[tilespmem:s16], [sflag:$0x1] =	stream.indirect.gather [spmem:s1], $0x40, s26, s15, $0xb8;
	[tilespmem:$0xE728] =	vst v63  }
0x6f: {  	s22 =	sadd.s32 $0x7A8, s22  }
0x70: {  	[tilespmem:s18], [sflag:$0x1] =	stream.indirect.gather [spmem:s1], $0x40, s22, s15, $0xb8;
	[tilespmem:$0xE728] =	vst v63  }
0x71: {  	s17 =	sadd.s32 $0x2000, s17;
	s2 =	sadd.s32 $0x2000, s2  }
0x72: {  	[hbm4b:s11+s24] =	stream.strided.scatter [tilespmem:s21], [sflag:$0x2], $0x4000, s15, s24, $0x38;
	[tilespmem:$0xE728] =	vst v63  }
0x73: {  	_ =	swait.ge [sflag:s19], $0x2000  }
0x74: {  	[sflag:s19] =	ssyncset.done $0x0  }
0x75: {  	[sflag:s19] =	ssyncadd.s32 $0xFFFFE000  }
0x76: {  	_ =	swait.ge [sflag:s19], $0x2000  }
0x77: {  	[sflag:s19] =	ssyncset.done $0x0  }
0x78: {  	[sflag:s19] =	ssyncadd.s32 $0xFFFFE000  }
0x79: {  	_ =	swait.ge [sflag:s25], $0x4000  }
0x7a: {  	[sflag:s25] =	ssyncset.done $0x0  }
0x7b: {  	[sflag:s25] =	ssyncadd.s32 $0xFFFFC000  }
0x7c: {  	[tilespmem:s21], [sflag:$0x1] =	stream.indirect.gather [spmem:s1], $0x40, s29, s15, $0xb8;
	[tilespmem:$0xE728] =	vst v63  }
0x7d: {  	_ = 	snop  }
0x7e: {  	[tilespmem:s23], [sflag:$0x1] =	stream.indirect.gather [spmem:s1], $0x40, s30, s15, $0xb8;
	[tilespmem:$0xE728] =	vst v63  }
0x7f: {  	_ = 	snop  }
0x80: {  	[hbm4b:s8+s24] =	stream.strided.scatter [tilespmem:s16], [sflag:$0x2], $0x4000, s15, s24, $0x38;
	[tilespmem:$0xE728] =	vst v63  }
0x81: {  	_ =	swait.ge [sflag:s19], $0x2000  }
0x82: {  	[sflag:s19] =	ssyncset.done $0x0  }
0x83: {  	[sflag:s19] =	ssyncadd.s32 $0xFFFFE000  }
0x84: {  	_ =	swait.ge [sflag:s19], $0x2000  }
0x85: {  	[sflag:s19] =	ssyncset.done $0x0  }
0x86: {  	[sflag:s19] =	ssyncadd.s32 $0xFFFFE000  }
0x87: {  	s31 =	sadd.s32 $0x1, s31;
	_ =	swait.ge [sflag:s25], $0x4000  }
0x88: {  	p1 =	sne.s32 s31, s5;
	[sflag:s25] =	ssyncset.done $0x0  }
.Ltmp1:
0x89: {  	[sflag:s25] =	ssyncadd.s32 $0xFFFFC000;
	(pc) =	sbr.rel @p1 .LBB2_1-.Ltmp1, $4  }
0x8a: {  	[hbm4b:s9+s24] =	stream.strided.scatter [tilespmem:s21], [sflag:$0x2], $0x4000, s15, s24, $0x38;
	[tilespmem:$0xE728] =	vst v63  }
0x8b: {  	_ =	swait.ge [sflag:s25], $0x4000  }
0x8c: {  	[sflag:s25] =	ssyncset.done $0x0  }
0x8d: {  	[sflag:s25] =	ssyncadd.s32 $0xFFFFC000  }
0x8e: {  	_ =	sfence.sel $0x180000  }
0x8f: {  	[bflag:$0x0] =	sbarrier.arrive $0xFFFF  }
0x90: {  	_ =	strace $0x90000047  }
0x91: {  	[bflag:$0x2] =	sbarrier.arrive $0xFFFF  }
0x92: {  	s0 =	rddreg [dreg:$0x4]  }
0x93: {  	s0 =	sadd.s32 @!p0 $0x100000, s0  }
0x94: {  	[sflag:s0] =	ssyncadd.tile.s32 @!p0 $0x1;
	_ =	shalt  }
.Lfunc_end2:
_tile_overlayer_lowered:
.L_overlay_start_2:
0x95: {  	(tag) =	ssettag $0x2  }
0x96: {  	s0 =	rddreg [dreg:$0x0];
	s2 =	stileid.u32  }
0x97: {  	s1 =	rddreg [dreg:$0x1];
	p0 =	sne.s32 s2, $0x0  }
0x98: {  	s3 =	rddreg [dreg:$0x2];
	[bflag:$0x3] =	sbarrier.arrive $0xFFFF;
	s2 =	simm.s32 @!p0 $0x1C03  }
0x99: {  	[timem:s3], [sflag:s2] =	dma.local @!p0 [hbm:s0], s1  }
0x9a: {  	s0 =	simm.s32 @!p0 $0x3  }
0x9b: {  	_ =	swait.ge @!p0 [sflag:s0], s1  }
0x9c: {  	s1 =	ssub.s32 @!p0 $0x0, s1;
	[sflag:s0] =	ssyncset.done @!p0 $0x0  }
0x9d: {  	[sflag:s0] =	ssyncadd.s32 @!p0 s1  }
0x9e: {  	[bflag:$0x3] =	sbarrier.arrive $0xFFFF  }
0x9f: {  	_ =	shalt  }

</sc_bundles>
